<compile_context>
chip_gen: v7x
topology: tpu7x:2x2x1
jax: 0.10.2.dev20260603
libtpu: 0.0.44.dev20260713+nightly
codegen_flags: <defaults>
</compile_context>

<pallas_src>
import jax
import jax.numpy as jnp
from jax import lax
from jax.experimental import pallas as pl
from jax.experimental.pallas import tpu as pltpu
from jax.experimental.pallas import tpu_sc as plsc

N = 65536
NW = 16
PER_W = N // NW
LANES = 16
HALF = PER_W // 2
HSTEPS = HALF // LANES


def _sc_kernel(x0_hbm, x1_hbm, out_hbm, x0_v, x1_v, out_v,
               sem_a, sem_b, sem_o):
    wid = lax.axis_index("s")
    base = wid * PER_W
    cps = []
    for h, sem in ((0, sem_a), (1, sem_b)):
        off = h * HALF
        cps.append(pltpu.async_copy(
            x0_hbm.at[pl.ds(base + off, HALF)], x0_v.at[pl.ds(off, HALF)], sem))
        cps.append(pltpu.async_copy(
            x1_hbm.at[pl.ds(base + off, HALF)], x1_v.at[pl.ds(off, HALF)], sem))

    def compute(lo_step):
        @plsc.parallel_loop(lo_step, lo_step + HSTEPS, unroll=4)
        def _loop(i):
            s = pl.ds(i * LANES, LANES)
            m = jnp.minimum(jnp.abs(x0_v[s]), jnp.abs(x1_v[s]))
            y = m - 64.0
            t = y.astype(jnp.int32)
            ff = t.astype(jnp.float32)
            fl = ff - jnp.where(ff > y, 1.0, 0.0)
            out_v[s] = jnp.minimum(fl, 127.0)

    cps[0].wait()
    cps[1].wait()
    compute(0)
    cpo0 = pltpu.async_copy(out_v.at[pl.ds(0, HALF)],
                            out_hbm.at[pl.ds(base, HALF)], sem_o)
    cps[2].wait()
    cps[3].wait()
    compute(HSTEPS)
    pltpu.sync_copy(out_v.at[pl.ds(HALF, HALF)],
                    out_hbm.at[pl.ds(base + HALF, HALF)])
    cpo0.wait()


@jax.jit
def _run(x0, x1):
    mesh = plsc.VectorSubcoreMesh(core_axis_name="c", subcore_axis_name="s",
                                  num_cores=1)
    return pl.kernel(
        _sc_kernel,
        mesh=mesh,
        out_type=jax.ShapeDtypeStruct((N,), jnp.float32),
        scratch_types=[
            pltpu.VMEM((PER_W,), jnp.float32),
            pltpu.VMEM((PER_W,), jnp.float32),
            pltpu.VMEM((PER_W,), jnp.float32),
            pltpu.SemaphoreType.DMA,
            pltpu.SemaphoreType.DMA,
            pltpu.SemaphoreType.DMA,
        ],
    )(x0, x1)


def kernel(x, biases, weights, threshold):
    return _run(x[:, 0], x[:, 1])

# --- scband reference (transcript-rebuilt; emitter-appended) ---
"""Pipeline reference for scband-morph-classifier-27376121545074 (READ-ONLY COPY).

The authoritative reference and input builder live on the scoring server;
editing this copy changes nothing except your own understanding.
"""

import jax, jax.numpy as jnp
import numpy as np

STACK_BITS = 8


def serialize_msb_offset(x):
    # offset-binary MSB-first serialization: v = clip(floor(x) + 2^(b-1), 0, 2^b - 1)
    v = jnp.clip(jnp.floor(x).astype(jnp.int32) + 2 ** (STACK_BITS - 1), 0, 2 ** STACK_BITS - 1)
    shifts = jnp.arange(STACK_BITS - 1, -1, -1)
    bits = (v[..., None] >> shifts) & 1
    return bits.astype(jnp.float32)


def wos_forward(x, weights, threshold):
    # Vectorized-over-(N,D) faithful translation of CustomWOS.forward
    N, D = x.shape
    input_bits = serialize_msb_offset(x)              # [N, D, STACK_BITS]
    sticky = jnp.zeros((N, D), dtype=jnp.float32)
    input_values = input_bits[:, :, 0]                # [N, D]
    thr = threshold[0]
    out_bits = []
    for k in range(STACK_BITS):
        not_stuck = sticky == 0
        input_values = jnp.where(not_stuck, input_bits[:, :, k], input_values)
        weighted_sum = jnp.sum(jnp.where(input_values > 0, weights[None, :], 0.0), axis=1)  # [N]
        ob = (weighted_sum >= thr).astype(jnp.float32)  # [N]
        out_bits.append(ob)
        disagree = not_stuck & (ob[:, None] != input_bits[:, :, k])
        sticky = jnp.where(disagree, float(k + 1), sticky)
    ob = jnp.stack(out_bits, axis=1)                  # [N, STACK_BITS]
    pow2 = 2.0 ** jnp.arange(STACK_BITS - 1, -1, -1)
    # DeserializeMSBOffset: offset-binary decode
    output = jnp.sum(ob * pow2, axis=1) - 2 ** (STACK_BITS - 1)
    out_index = jnp.argmax((sticky == 0).astype(jnp.int32), axis=1)  # first zero-sticky index
    return output, out_index


def setup_inputs(seed: int = 0) -> dict:
    key = jax.random.key(seed)
    kx, = jax.random.split(key, 1)
    x = jax.random.normal(kx, (65536, 2), dtype=jnp.float32)
    biases = jnp.array([-64.0, -64.0, -64.0, -64.0], dtype=jnp.float32)
    threshold = jnp.array([2.0], dtype=jnp.float32)
    weights = jnp.ones((4,), dtype=jnp.float32)
    return {"x": x, "biases": biases, "weights": weights, "threshold": threshold}


def reference(x, biases, weights, threshold):
    concatenated = jnp.concatenate([x, -x], axis=1)   # [N, 4]
    lsb = concatenated + biases
    out, _ = wos_forward(lsb, weights, threshold)
    return out

if __name__ == "__main__":
    import jax
    _d = setup_inputs()
    print(jax.jit(kernel)(*tuple(_d.values())))

</pallas_src>

<mosaic_0001>
#map = affine_map<(d0, d1) -> (0)>
module attributes {stable_mosaic.version = 14 : i64} {
  func.func @_sc_kernel(%arg0: i32, %arg1: i32, %arg2: memref<65536xf32, #tpu.memory_space<hbm>>, %arg3: memref<65536xf32, #tpu.memory_space<hbm>>, %arg4: memref<65536xf32, #tpu.memory_space<hbm>>, %arg5: memref<4096xf32, #tpu.memory_space<vmem>>, %arg6: memref<4096xf32, #tpu.memory_space<vmem>>, %arg7: memref<4096xf32, #tpu.memory_space<vmem>>, %arg8: memref<!tpu.dma_semaphore, #tpu.memory_space<semaphore_mem>>, %arg9: memref<!tpu.dma_semaphore, #tpu.memory_space<semaphore_mem>>, %arg10: memref<!tpu.dma_semaphore, #tpu.memory_space<semaphore_mem>>) attributes {dimension_semantics = [#tpu.dimension_semantics<core_parallel>, #tpu.dimension_semantics<subcore_parallel>], iteration_bounds = array<i64: 1, 16>, scalar_prefetch = 0 : i64, scratch_operands = 6 : i64, tpu.core_type = #tpu.core_type<sc_vector_subcore>, window_params = [{transform_indices = #map}, {transform_indices = #map}, {transform_indices = #map}]} {
    %mul3A = arith.constant 4096 : i32
    %mul3A_0 = arith.muli %arg1, %mul3A : i32
    %add3A = arith.constant 0 : i32
    %add3A_1 = arith.addi %mul3A_0, %add3A : i32
    %dma_start3A = arith.constant 0 : i32
    %dma_start3A_2 = tpu.memref_slice %arg5[%dma_start3A] : memref<4096xf32, #tpu.memory_space<vmem>> -> memref<2048xf32, #tpu.memory_space<vmem>>
    %dma_start3A_3 = tpu.memref_slice %arg2[%add3A_1] : memref<65536xf32, #tpu.memory_space<hbm>> -> memref<2048xf32, #tpu.memory_space<hbm>>
    %dma_start3A_4 = arith.constant 0 : i32
    %dma_start3A_5 = tpu.memref_slice %arg5[%dma_start3A_4] : memref<4096xf32, #tpu.memory_space<vmem>> -> memref<2048xf32, #tpu.memory_space<vmem>>
    %dma_start3A_6 = tpu.memref_slice %arg2[%add3A_1] : memref<65536xf32, #tpu.memory_space<hbm>> -> memref<2048xf32, #tpu.memory_space<hbm>>
    tpu.enqueue_dma source(%dma_start3A_6 : memref<2048xf32, #tpu.memory_space<hbm>>) target(%dma_start3A_5 : memref<2048xf32, #tpu.memory_space<vmem>>) target_semaphore(%arg8 : memref<!tpu.dma_semaphore, #tpu.memory_space<semaphore_mem>>)
    %add3A_7 = arith.constant 0 : i32
    %add3A_8 = arith.addi %mul3A_0, %add3A_7 : i32
    %dma_start3A_9 = arith.constant 0 : i32
    %dma_start3A_10 = tpu.memref_slice %arg6[%dma_start3A_9] : memref<4096xf32, #tpu.memory_space<vmem>> -> memref<2048xf32, #tpu.memory_space<vmem>>
    %dma_start3A_11 = tpu.memref_slice %arg3[%add3A_8] : memref<65536xf32, #tpu.memory_space<hbm>> -> memref<2048xf32, #tpu.memory_space<hbm>>
    %dma_start3A_12 = arith.constant 0 : i32
    %dma_start3A_13 = tpu.memref_slice %arg6[%dma_start3A_12] : memref<4096xf32, #tpu.memory_space<vmem>> -> memref<2048xf32, #tpu.memory_space<vmem>>
    %dma_start3A_14 = tpu.memref_slice %arg3[%add3A_8] : memref<65536xf32, #tpu.memory_space<hbm>> -> memref<2048xf32, #tpu.memory_space<hbm>>
    tpu.enqueue_dma source(%dma_start3A_14 : memref<2048xf32, #tpu.memory_space<hbm>>) target(%dma_start3A_13 : memref<2048xf32, #tpu.memory_space<vmem>>) target_semaphore(%arg8 : memref<!tpu.dma_semaphore, #tpu.memory_space<semaphore_mem>>)
    %add3A_15 = arith.constant 2048 : i32
    %add3A_16 = arith.addi %mul3A_0, %add3A_15 : i32
    %dma_start3A_17 = arith.constant 2048 : i32
    %dma_start3A_18 = tpu.memref_slice %arg5[%dma_start3A_17] : memref<4096xf32, #tpu.memory_space<vmem>> -> memref<2048xf32, #tpu.memory_space<vmem>>
    %dma_start3A_19 = tpu.memref_slice %arg2[%add3A_16] : memref<65536xf32, #tpu.memory_space<hbm>> -> memref<2048xf32, #tpu.memory_space<hbm>>
    %dma_start3A_20 = arith.constant 2048 : i32
    %dma_start3A_21 = tpu.memref_slice %arg5[%dma_start3A_20] : memref<4096xf32, #tpu.memory_space<vmem>> -> memref<2048xf32, #tpu.memory_space<vmem>>
    %dma_start3A_22 = tpu.memref_slice %arg2[%add3A_16] : memref<65536xf32, #tpu.memory_space<hbm>> -> memref<2048xf32, #tpu.memory_space<hbm>>
    tpu.enqueue_dma source(%dma_start3A_22 : memref<2048xf32, #tpu.memory_space<hbm>>) target(%dma_start3A_21 : memref<2048xf32, #tpu.memory_space<vmem>>) target_semaphore(%arg9 : memref<!tpu.dma_semaphore, #tpu.memory_space<semaphore_mem>>)
    %add3A_23 = arith.constant 2048 : i32
    %add3A_24 = arith.addi %mul3A_0, %add3A_23 : i32
    %dma_start3A_25 = arith.constant 2048 : i32
    %dma_start3A_26 = tpu.memref_slice %arg6[%dma_start3A_25] : memref<4096xf32, #tpu.memory_space<vmem>> -> memref<2048xf32, #tpu.memory_space<vmem>>
    %dma_start3A_27 = tpu.memref_slice %arg3[%add3A_24] : memref<65536xf32, #tpu.memory_space<hbm>> -> memref<2048xf32, #tpu.memory_space<hbm>>
    %dma_start3A_28 = arith.constant 2048 : i32
    %dma_start3A_29 = tpu.memref_slice %arg6[%dma_start3A_28] : memref<4096xf32, #tpu.memory_space<vmem>> -> memref<2048xf32, #tpu.memory_space<vmem>>
    %dma_start3A_30 = tpu.memref_slice %arg3[%add3A_24] : memref<65536xf32, #tpu.memory_space<hbm>> -> memref<2048xf32, #tpu.memory_space<hbm>>
    tpu.enqueue_dma source(%dma_start3A_30 : memref<2048xf32, #tpu.memory_space<hbm>>) target(%dma_start3A_29 : memref<2048xf32, #tpu.memory_space<vmem>>) target_semaphore(%arg9 : memref<!tpu.dma_semaphore, #tpu.memory_space<semaphore_mem>>)
    %dma_wait3A = arith.constant 0 : i32
    %dma_wait3A_31 = tpu.memref_slice %arg5[%dma_wait3A] : memref<4096xf32, #tpu.memory_space<vmem>> -> memref<2048xf32, #tpu.memory_space<vmem>>
    %dma_wait3A_32 = tpu.memref_slice %arg2[%add3A_1] : memref<65536xf32, #tpu.memory_space<hbm>> -> memref<2048xf32, #tpu.memory_space<hbm>>
    %dma_wait3A_33 = arith.constant 0 : i32
    %dma_wait3A_34 = tpu.memref_slice %arg5[%dma_wait3A_33] : memref<4096xf32, #tpu.memory_space<vmem>> -> memref<2048xf32, #tpu.memory_space<vmem>>
    %dma_wait3A_35 = tpu.memref_slice %arg2[%add3A_1] : memref<65536xf32, #tpu.memory_space<hbm>> -> memref<2048xf32, #tpu.memory_space<hbm>>
    tpu.wait_dma2 semaphore(%arg8 : memref<!tpu.dma_semaphore, #tpu.memory_space<semaphore_mem>>) src(%dma_wait3A_35 : memref<2048xf32, #tpu.memory_space<hbm>>) dst(%dma_wait3A_34 : memref<2048xf32, #tpu.memory_space<vmem>>)
    %dma_wait3A_36 = arith.constant 0 : i32
    %dma_wait3A_37 = tpu.memref_slice %arg6[%dma_wait3A_36] : memref<4096xf32, #tpu.memory_space<vmem>> -> memref<2048xf32, #tpu.memory_space<vmem>>
    %dma_wait3A_38 = tpu.memref_slice %arg3[%add3A_8] : memref<65536xf32, #tpu.memory_space<hbm>> -> memref<2048xf32, #tpu.memory_space<hbm>>
    %dma_wait3A_39 = arith.constant 0 : i32
    %dma_wait3A_40 = tpu.memref_slice %arg6[%dma_wait3A_39] : memref<4096xf32, #tpu.memory_space<vmem>> -> memref<2048xf32, #tpu.memory_space<vmem>>
    %dma_wait3A_41 = tpu.memref_slice %arg3[%add3A_8] : memref<65536xf32, #tpu.memory_space<hbm>> -> memref<2048xf32, #tpu.memory_space<hbm>>
    tpu.wait_dma2 semaphore(%arg8 : memref<!tpu.dma_semaphore, #tpu.memory_space<semaphore_mem>>) src(%dma_wait3A_41 : memref<2048xf32, #tpu.memory_space<hbm>>) dst(%dma_wait3A_40 : memref<2048xf32, #tpu.memory_space<vmem>>)
    %parallel_loop3A = arith.constant 0 : i32
    %parallel_loop3A_42 = arith.constant 128 : i32
    %parallel_loop3A_43 = arith.constant 1 : i32
    scf.for %parallel_loop3A_73 = %parallel_loop3A to %parallel_loop3A_42 step %parallel_loop3A_43  : i32 {
      %parallel_loop3A_74 = arith.constant 16 : i32
      %parallel_loop3A_75 = arith.muli %parallel_loop3A_73, %parallel_loop3A_74 : i32
      %parallel_loop3A_76 = arith.index_cast %parallel_loop3A_75 : i32 to index
      %parallel_loop3A_77 = tpu.vector_load %arg5[%parallel_loop3A_76] {strides = array<i32>} : memref<4096xf32, #tpu.memory_space<vmem>>, vector<16xf32>,
      %parallel_loop3A_78 = vector.shape_cast %parallel_loop3A_77 : vector<16xf32> to vector<16xf32>
      %parallel_loop3A_79 = math.absf %parallel_loop3A_78 : vector<16xf32>
      %parallel_loop3A_80 = arith.index_cast %parallel_loop3A_75 : i32 to index
      %parallel_loop3A_81 = tpu.vector_load %arg6[%parallel_loop3A_80] {strides = array<i32>} : memref<4096xf32, #tpu.memory_space<vmem>>, vector<16xf32>,
      %parallel_loop3A_82 = vector.shape_cast %parallel_loop3A_81 : vector<16xf32> to vector<16xf32>
      %parallel_loop3A_83 = math.absf %parallel_loop3A_82 : vector<16xf32>
      %parallel_loop3A_84 = arith.minimumf %parallel_loop3A_79, %parallel_loop3A_83 : vector<16xf32>
      %parallel_loop3A_85 = arith.constant 6.400000e+01 : f32
      %parallel_loop3A_86 = vector.broadcast %parallel_loop3A_85 : f32 to vector<16xf32>
      %parallel_loop3A_87 = arith.subf %parallel_loop3A_84, %parallel_loop3A_86 : vector<16xf32>
      %parallel_loop3A_88 = arith.fptosi %parallel_loop3A_87 : vector<16xf32> to vector<16xi32>
      %parallel_loop3A_89 = arith.sitofp %parallel_loop3A_88 : vector<16xi32> to vector<16xf32>
      %parallel_loop3A_90 = arith.cmpf ogt, %parallel_loop3A_89, %parallel_loop3A_87 : vector<16xf32>
      %parallel_loop3A_91 = arith.constant 1.000000e+00 : f32
      %parallel_loop3A_92 = arith.constant 0.000000e+00 : f32
      %parallel_loop3A_93 = vector.broadcast %parallel_loop3A_91 : f32 to vector<16xf32>
      %parallel_loop3A_94 = vector.broadcast %parallel_loop3A_92 : f32 to vector<16xf32>
      %parallel_loop3A_95 = arith.select %parallel_loop3A_90, %parallel_loop3A_93, %parallel_loop3A_94 : vector<16xi1>, vector<16xf32>
      %parallel_loop3A_96 = arith.subf %parallel_loop3A_89, %parallel_loop3A_95 : vector<16xf32>
      %parallel_loop3A_97 = arith.constant 1.270000e+02 : f32
      %parallel_loop3A_98 = vector.broadcast %parallel_loop3A_97 : f32 to vector<16xf32>
      %parallel_loop3A_99 = arith.minimumf %parallel_loop3A_96, %parallel_loop3A_98 : vector<16xf32>
      %parallel_loop3A_100 = arith.index_cast %parallel_loop3A_75 : i32 to index
      %parallel_loop3A_101 = tpu.vector_load %arg7[%parallel_loop3A_100] {strides = array<i32>} : memref<4096xf32, #tpu.memory_space<vmem>>, vector<16xf32>,
      %parallel_loop3A_102 = vector.shape_cast %parallel_loop3A_101 : vector<16xf32> to vector<16xf32>
      %parallel_loop3A_103 = vector.shape_cast %parallel_loop3A_99 : vector<16xf32> to vector<16xf32>
      tpu.vector_store %arg7[%parallel_loop3A_100], %parallel_loop3A_103 {strides = array<i32>} : memref<4096xf32, #tpu.memory_space<vmem>>, vector<16xf32>,
    } {sc.loop_unroll_factor = 4 : i64, sc.parallel_access}
    %dma_start3A_44 = arith.constant 0 : i32
    %dma_start3A_45 = tpu.memref_slice %arg7[%dma_start3A_44] : memref<4096xf32, #tpu.memory_space<vmem>> -> memref<2048xf32, #tpu.memory_space<vmem>>
    %dma_start3A_46 = tpu.memref_slice %arg4[%mul3A_0] : memref<65536xf32, #tpu.memory_space<hbm>> -> memref<2048xf32, #tpu.memory_space<hbm>>
    %dma_start3A_47 = tpu.memref_slice %arg4[%mul3A_0] : memref<65536xf32, #tpu.memory_space<hbm>> -> memref<2048xf32, #tpu.memory_space<hbm>>
    %dma_start3A_48 = arith.constant 0 : i32
    %dma_start3A_49 = tpu.memref_slice %arg7[%dma_start3A_48] : memref<4096xf32, #tpu.memory_space<vmem>> -> memref<2048xf32, #tpu.memory_space<vmem>>
    tpu.enqueue_dma source(%dma_start3A_49 : memref<2048xf32, #tpu.memory_space<vmem>>) target(%dma_start3A_47 : memref<2048xf32, #tpu.memory_space<hbm>>) target_semaphore(%arg10 : memref<!tpu.dma_semaphore, #tpu.memory_space<semaphore_mem>>)
    %dma_wait3A_50 = arith.constant 2048 : i32
    %dma_wait3A_51 = tpu.memref_slice %arg5[%dma_wait3A_50] : memref<4096xf32, #tpu.memory_space<vmem>> -> memref<2048xf32, #tpu.memory_space<vmem>>
    %dma_wait3A_52 = tpu.memref_slice %arg2[%add3A_16] : memref<65536xf32, #tpu.memory_space<hbm>> -> memref<2048xf32, #tpu.memory_space<hbm>>
    %dma_wait3A_53 = arith.constant 2048 : i32
    %dma_wait3A_54 = tpu.memref_slice %arg5[%dma_wait3A_53] : memref<4096xf32, #tpu.memory_space<vmem>> -> memref<2048xf32, #tpu.memory_space<vmem>>
    %dma_wait3A_55 = tpu.memref_slice %arg2[%add3A_16] : memref<65536xf32, #tpu.memory_space<hbm>> -> memref<2048xf32, #tpu.memory_space<hbm>>
    tpu.wait_dma2 semaphore(%arg9 : memref<!tpu.dma_semaphore, #tpu.memory_space<semaphore_mem>>) src(%dma_wait3A_55 : memref<2048xf32, #tpu.memory_space<hbm>>) dst(%dma_wait3A_54 : memref<2048xf32, #tpu.memory_space<vmem>>)
    %dma_wait3A_56 = arith.constant 2048 : i32
    %dma_wait3A_57 = tpu.memref_slice %arg6[%dma_wait3A_56] : memref<4096xf32, #tpu.memory_space<vmem>> -> memref<2048xf32, #tpu.memory_space<vmem>>
    %dma_wait3A_58 = tpu.memref_slice %arg3[%add3A_24] : memref<65536xf32, #tpu.memory_space<hbm>> -> memref<2048xf32, #tpu.memory_space<hbm>>
    %dma_wait3A_59 = arith.constant 2048 : i32
    %dma_wait3A_60 = tpu.memref_slice %arg6[%dma_wait3A_59] : memref<4096xf32, #tpu.memory_space<vmem>> -> memref<2048xf32, #tpu.memory_space<vmem>>
    %dma_wait3A_61 = tpu.memref_slice %arg3[%add3A_24] : memref<65536xf32, #tpu.memory_space<hbm>> -> memref<2048xf32, #tpu.memory_space<hbm>>
    tpu.wait_dma2 semaphore(%arg9 : memref<!tpu.dma_semaphore, #tpu.memory_space<semaphore_mem>>) src(%dma_wait3A_61 : memref<2048xf32, #tpu.memory_space<hbm>>) dst(%dma_wait3A_60 : memref<2048xf32, #tpu.memory_space<vmem>>)
    %parallel_loop3A_62 = arith.constant 128 : i32
    %parallel_loop3A_63 = arith.constant 256 : i32
    %parallel_loop3A_64 = arith.constant 1 : i32
    scf.for %parallel_loop3A_73 = %parallel_loop3A_62 to %parallel_loop3A_63 step %parallel_loop3A_64  : i32 {
      %parallel_loop3A_74 = arith.constant 16 : i32
      %parallel_loop3A_75 = arith.muli %parallel_loop3A_73, %parallel_loop3A_74 : i32
      %parallel_loop3A_76 = arith.index_cast %parallel_loop3A_75 : i32 to index
      %parallel_loop3A_77 = tpu.vector_load %arg5[%parallel_loop3A_76] {strides = array<i32>} : memref<4096xf32, #tpu.memory_space<vmem>>, vector<16xf32>,
      %parallel_loop3A_78 = vector.shape_cast %parallel_loop3A_77 : vector<16xf32> to vector<16xf32>
      %parallel_loop3A_79 = math.absf %parallel_loop3A_78 : vector<16xf32>
      %parallel_loop3A_80 = arith.index_cast %parallel_loop3A_75 : i32 to index
      %parallel_loop3A_81 = tpu.vector_load %arg6[%parallel_loop3A_80] {strides = array<i32>} : memref<4096xf32, #tpu.memory_space<vmem>>, vector<16xf32>,
      %parallel_loop3A_82 = vector.shape_cast %parallel_loop3A_81 : vector<16xf32> to vector<16xf32>
      %parallel_loop3A_83 = math.absf %parallel_loop3A_82 : vector<16xf32>
      %parallel_loop3A_84 = arith.minimumf %parallel_loop3A_79, %parallel_loop3A_83 : vector<16xf32>
      %parallel_loop3A_85 = arith.constant 6.400000e+01 : f32
      %parallel_loop3A_86 = vector.broadcast %parallel_loop3A_85 : f32 to vector<16xf32>
      %parallel_loop3A_87 = arith.subf %parallel_loop3A_84, %parallel_loop3A_86 : vector<16xf32>
      %parallel_loop3A_88 = arith.fptosi %parallel_loop3A_87 : vector<16xf32> to vector<16xi32>
      %parallel_loop3A_89 = arith.sitofp %parallel_loop3A_88 : vector<16xi32> to vector<16xf32>
      %parallel_loop3A_90 = arith.cmpf ogt, %parallel_loop3A_89, %parallel_loop3A_87 : vector<16xf32>
      %parallel_loop3A_91 = arith.constant 1.000000e+00 : f32
      %parallel_loop3A_92 = arith.constant 0.000000e+00 : f32
      %parallel_loop3A_93 = vector.broadcast %parallel_loop3A_91 : f32 to vector<16xf32>
      %parallel_loop3A_94 = vector.broadcast %parallel_loop3A_92 : f32 to vector<16xf32>
      %parallel_loop3A_95 = arith.select %parallel_loop3A_90, %parallel_loop3A_93, %parallel_loop3A_94 : vector<16xi1>, vector<16xf32>
      %parallel_loop3A_96 = arith.subf %parallel_loop3A_89, %parallel_loop3A_95 : vector<16xf32>
      %parallel_loop3A_97 = arith.constant 1.270000e+02 : f32
      %parallel_loop3A_98 = vector.broadcast %parallel_loop3A_97 : f32 to vector<16xf32>
      %parallel_loop3A_99 = arith.minimumf %parallel_loop3A_96, %parallel_loop3A_98 : vector<16xf32>
      %parallel_loop3A_100 = arith.index_cast %parallel_loop3A_75 : i32 to index
      %parallel_loop3A_101 = tpu.vector_load %arg7[%parallel_loop3A_100] {strides = array<i32>} : memref<4096xf32, #tpu.memory_space<vmem>>, vector<16xf32>,
      %parallel_loop3A_102 = vector.shape_cast %parallel_loop3A_101 : vector<16xf32> to vector<16xf32>
      %parallel_loop3A_103 = vector.shape_cast %parallel_loop3A_99 : vector<16xf32> to vector<16xf32>
      tpu.vector_store %arg7[%parallel_loop3A_100], %parallel_loop3A_103 {strides = array<i32>} : memref<4096xf32, #tpu.memory_space<vmem>>, vector<16xf32>,
    } {sc.loop_unroll_factor = 4 : i64, sc.parallel_access}
    %add3A_65 = arith.constant 2048 : i32
    %add3A_66 = arith.addi %mul3A_0, %add3A_65 : i32
    "tpu.region"() ({
      %run_scoped3A = tpu.sem_alloc : memref<!tpu.dma_semaphore, #tpu.memory_space<semaphore_mem>>
      %dma_start3A_73 = arith.constant 2048 : i32
      %dma_start3A_74 = tpu.memref_slice %arg7[%dma_start3A_73] : memref<4096xf32, #tpu.memory_space<vmem>> -> memref<2048xf32, #tpu.memory_space<vmem>>
      %dma_start3A_75 = tpu.memref_slice %arg4[%add3A_66] : memref<65536xf32, #tpu.memory_space<hbm>> -> memref<2048xf32, #tpu.memory_space<hbm>>
      %dma_start3A_76 = tpu.memref_slice %arg4[%add3A_66] : memref<65536xf32, #tpu.memory_space<hbm>> -> memref<2048xf32, #tpu.memory_space<hbm>>
      %dma_start3A_77 = arith.constant 2048 : i32
      %dma_start3A_78 = tpu.memref_slice %arg7[%dma_start3A_77] : memref<4096xf32, #tpu.memory_space<vmem>> -> memref<2048xf32, #tpu.memory_space<vmem>>
      tpu.enqueue_dma source(%dma_start3A_78 : memref<2048xf32, #tpu.memory_space<vmem>>) target(%dma_start3A_76 : memref<2048xf32, #tpu.memory_space<hbm>>) target_semaphore(%run_scoped3A : memref<!tpu.dma_semaphore, #tpu.memory_space<semaphore_mem>>)
      %dma_wait3A_79 = arith.constant 2048 : i32
      %dma_wait3A_80 = tpu.memref_slice %arg7[%dma_wait3A_79] : memref<4096xf32, #tpu.memory_space<vmem>> -> memref<2048xf32, #tpu.memory_space<vmem>>
      %dma_wait3A_81 = tpu.memref_slice %arg4[%add3A_66] : memref<65536xf32, #tpu.memory_space<hbm>> -> memref<2048xf32, #tpu.memory_space<hbm>>
      %dma_wait3A_82 = tpu.memref_slice %arg4[%add3A_66] : memref<65536xf32, #tpu.memory_space<hbm>> -> memref<2048xf32, #tpu.memory_space<hbm>>
      %dma_wait3A_83 = arith.constant 2048 : i32
      %dma_wait3A_84 = tpu.memref_slice %arg7[%dma_wait3A_83] : memref<4096xf32, #tpu.memory_space<vmem>> -> memref<2048xf32, #tpu.memory_space<vmem>>
      tpu.wait_dma2 semaphore(%run_scoped3A : memref<!tpu.dma_semaphore, #tpu.memory_space<semaphore_mem>>) src(%dma_wait3A_84 : memref<2048xf32, #tpu.memory_space<vmem>>) dst(%dma_wait3A_82 : memref<2048xf32, #tpu.memory_space<hbm>>)
      tpu.yield
    }) : () -> ()
    %dma_wait3A_67 = arith.constant 0 : i32
    %dma_wait3A_68 = tpu.memref_slice %arg7[%dma_wait3A_67] : memref<4096xf32, #tpu.memory_space<vmem>> -> memref<2048xf32, #tpu.memory_space<vmem>>
    %dma_wait3A_69 = tpu.memref_slice %arg4[%mul3A_0] : memref<65536xf32, #tpu.memory_space<hbm>> -> memref<2048xf32, #tpu.memory_space<hbm>>
    %dma_wait3A_70 = tpu.memref_slice %arg4[%mul3A_0] : memref<65536xf32, #tpu.memory_space<hbm>> -> memref<2048xf32, #tpu.memory_space<hbm>>
    %dma_wait3A_71 = arith.constant 0 : i32
    %dma_wait3A_72 = tpu.memref_slice %arg7[%dma_wait3A_71] : memref<4096xf32, #tpu.memory_space<vmem>> -> memref<2048xf32, #tpu.memory_space<vmem>>
    tpu.wait_dma2 semaphore(%arg10 : memref<!tpu.dma_semaphore, #tpu.memory_space<semaphore_mem>>) src(%dma_wait3A_72 : memref<2048xf32, #tpu.memory_space<vmem>>) dst(%dma_wait3A_70 : memref<2048xf32, #tpu.memory_space<hbm>>)
    return
  }
}

</mosaic_0001>

<sc_bundles>
// kernel: _run.3.cloned.1.call-start
scs
__scs_entry_jumppad:
0x0: {  	(pc) =	sbr.rel $0x88, $3  }
0x1: {  	(tag) =	ssettag $0x0;
	lr =	simm.s32 $0x1  }
0x2: {  	[smem:$0x3F9F] =	sst lr;
	_ =	strace $0xD0000000  }
0x3: {  	_ = 	snop  }
0x4: {  	_ = 	snop  }
0x5: {  	_ = 	snop  }
0x6: {  	_ = 	snop  }
0x7: {  	_ = 	snop  }
__scs_overlays_trampoline_lowered:
0x8: {  	[smem:$0x3FAE] =	sst s0  }
0x9: {  	[smem:$0x3FAF] =	sst s1  }
0xa: {  	[smem:$0x3FB0] =	sst s2  }
0xb: {  	[smem:$0x3FB1] =	sst s3  }
0xc: {  	[smem:$0x3FB2] =	sst s4  }
0xd: {  	[smem:$0x3FB3] =	sst s5  }
0xe: {  	[smem:$0x3FB4] =	sst s6  }
0xf: {  	[smem:$0x3FB5] =	sst s7  }
0x10: {  	[smem:$0x3FB6] =	sst s8  }
0x11: {  	[smem:$0x3FB7] =	sst s9;
	s0 =	simm.s32 @!p0 $0x0  }
0x12: {  	s1 =	sld [smem:$0x3F9D];
	s0 =	simm.s32 @p0 $0x1  }
0x13: {  	[smem:$0x3FB8] =	sst s0;
	s0 =	simm.s32 @!p1 $0x0  }
0x14: {  	s2 =	sld [smem:$0x3F9C];
	s0 =	simm.s32 @p1 $0x1  }
0x15: {  	[smem:$0x3FB9] =	sst s0;
	s0 =	simm.s32 @!p2 $0x0  }
0x16: {  	s3 =	sld [smem:$0x3FDB];
	s0 =	simm.s32 @p2 $0x1  }
0x17: {  	s4 =	simm.s32 $0x1BF5;
	[smem:$0x3FBB] =	sst s0  }
0x18: {  	s0 =	sld [smem:$0x3F9E];
	_ =	swait.ge [sflag:s4], $0x0  }
0x19: {  	s7 =	sld [smem:$0x3F9F]  }
0x1a: {  	s8 =	sadd.s32 $0xFFFFE003, lr  }
0x1b: {  	s9 =	sadd.s32 $0xFFFFFEF7, lr;
	s5 =	simm.s32 $0xFFFFFFFF;
	p2 =	slt.u32 s8, $0xFFFFF086  }
0x1c: {  	p1 =	slt.u32 s9, $0xF7A;
	s5 =	simm.s32 @!p2 $0x0  }
0x1d: {  	s5 =	simm.s32 @p1 $0x1;
	p0 =	seq.s32 s7, s2  }
0x1e: {  	s7 =	smul.u32 @!p0 $0xF7A, s2;
	p2 =	seq.s32 @!p0 s5, $0x0  }
0x1f: {  	s9 =	smul.u32 $0xF7A, s1;
	s8 =	simm.s32 @!p0 $0x1BF5;
	p2 =	por !p2, p0  }
0x20: {  	[sflag:s8] =	ssyncset.s32 @!p0 $0xFFFFF086;
	s6 =	sadd.s32 @!p0 s3, s7;
	s7 =	simm.s32 @!p0 $0x108  }
0x21: {  	s3 =	sadd.s32 s3, s9;
	s6 =	sadd.s32 @!p0 $0x88, s6;
	s7 =	simm.s32 @p2 $0x1082  }
0x22: {  	[simem:s7], [sflag:s8] =	dma.local @!p0 [hbm:s6], $0xF7A  }
0x23: {  	s9 =	sor.u32 $0xD0000000, s2;
	s6 =	simm.s32 $0x108;
	_ =	swait.ge @!p0 [sflag:s8], $0x0  }
0x24: {  	s3 =	sadd.s32 $0x88, s3;
	s6 =	simm.s32 @!p1 $0x1082;
	[sflag:s4] =	ssyncset.s32 $0xFFFFF086  }
0x25: {  	[simem:s6], [sflag:s4] =	dma.local [hbm:s3], $0xF7A  }
0x26: {  	[smem:$0x3F9F] =	sst s1;
	(tag) =	ssettag s2;
	_ =	strace s9  }
0x27: {  	s1 =	sld [smem:$0x3FAF]  }
0x28: {  	s2 =	sld [smem:$0x3FB0]  }
0x29: {  	s4 =	sld [smem:$0x3FB2]  }
0x2a: {  	p0 =	seq.s32 s5, $0x0;
	s5 =	sld [smem:$0x3FB3]  }
0x2b: {  	s6 =	sld [smem:$0x3FB4]  }
0x2c: {  	s7 =	sld [smem:$0x3FB5]  }
0x2d: {  	s3 =	simm.s32 $0x108;
	s8 =	sld [smem:$0x3FB6]  }
0x2e: {  	s3 =	simm.s32 @!p0 $0x1082;
	s9 =	sld [smem:$0x3FB7]  }
0x2f: {  	lr =	sadd.s32 s0, s3;
	s0 =	sld [smem:$0x3FAE]  }
0x30: {  	s3 =	sld [smem:$0x3FB1]  }
0x31: {  	[smem:$0x3FBA] =	sst s10  }
0x32: {  	s10 =	sld [smem:$0x3FB8];
	_ =	sdelay $0x3  }
0x33: {  	p0 =	seq.s32 s10, $0x1;
	s10 =	sld [smem:$0x3FBA];
	_ =	sdelay $0x3  }
0x34: {  	[smem:$0x3FBA] =	sst s10  }
0x35: {  	s10 =	sld [smem:$0x3FB9];
	_ =	sdelay $0x3  }
0x36: {  	p1 =	seq.s32 s10, $0x1;
	s10 =	sld [smem:$0x3FBA];
	_ =	sdelay $0x3  }
0x37: {  	[smem:$0x3FBA] =	sst s10  }
0x38: {  	s10 =	sld [smem:$0x3FBB]  }
0x39: {  	_ = 	snop;
	(pc) =	sbr.ind lr, $3  }
0x3a: {  	_ = 	snop  }
0x3b: {  	_ = 	snop  }
0x3c: {  	p2 =	seq.s32 s10, $0x1;
	s10 =	sld [smem:$0x3FBA]  }
0x3d: {  	_ =	shalt  }
0x3e: {  	_ =	shalt  }
0x3f: {  	_ =	shalt  }
0x40: {  	_ =	shalt  }
0x41: {  	_ =	shalt  }
0x42: {  	_ =	shalt  }
0x43: {  	_ =	shalt  }
0x44: {  	_ =	shalt  }
0x45: {  	_ =	shalt  }
0x46: {  	_ =	shalt  }
0x47: {  	_ =	shalt  }
0x48: {  	_ =	shalt  }
0x49: {  	_ =	shalt  }
0x4a: {  	_ =	shalt  }
0x4b: {  	_ =	shalt  }
0x4c: {  	_ =	shalt  }
0x4d: {  	_ =	shalt  }
0x4e: {  	_ =	shalt  }
0x4f: {  	_ =	shalt  }
0x50: {  	_ =	shalt  }
0x51: {  	_ =	shalt  }
0x52: {  	_ =	shalt  }
0x53: {  	_ =	shalt  }
0x54: {  	_ =	shalt  }
0x55: {  	_ =	shalt  }
0x56: {  	_ =	shalt  }
0x57: {  	_ =	shalt  }
0x58: {  	_ =	shalt  }
0x59: {  	_ =	shalt  }
0x5a: {  	_ =	shalt  }
0x5b: {  	_ =	shalt  }
0x5c: {  	_ =	shalt  }
0x5d: {  	_ =	shalt  }
0x5e: {  	_ =	shalt  }
0x5f: {  	_ =	shalt  }
0x60: {  	_ =	shalt  }
0x61: {  	_ =	shalt  }
0x62: {  	_ =	shalt  }
0x63: {  	_ =	shalt  }
0x64: {  	_ =	shalt  }
0x65: {  	_ =	shalt  }
0x66: {  	_ =	shalt  }
0x67: {  	_ =	shalt  }
0x68: {  	_ =	shalt  }
0x69: {  	_ =	shalt  }
0x6a: {  	_ =	shalt  }
0x6b: {  	_ =	shalt  }
0x6c: {  	_ =	shalt  }
0x6d: {  	_ =	shalt  }
0x6e: {  	_ =	shalt  }
0x6f: {  	_ =	shalt  }
0x70: {  	_ =	shalt  }
0x71: {  	_ =	shalt  }
0x72: {  	_ =	shalt  }
0x73: {  	_ =	shalt  }
0x74: {  	_ =	shalt  }
0x75: {  	_ =	shalt  }
0x76: {  	_ =	shalt  }
0x77: {  	_ =	shalt  }
0x78: {  	_ =	shalt  }
0x79: {  	_ =	shalt  }
0x7a: {  	_ =	shalt  }
0x7b: {  	_ =	shalt  }
0x7c: {  	_ =	shalt  }
0x7d: {  	_ =	shalt  }
0x7e: {  	_ =	shalt  }
0x7f: {  	_ =	shalt  }
0x80: {  	_ =	shalt  }
0x81: {  	_ =	shalt  }
0x82: {  	_ =	shalt  }
0x83: {  	_ =	shalt  }
0x84: {  	_ =	shalt  }
0x85: {  	_ =	shalt  }
0x86: {  	_ =	shalt  }
0x87: {  	_ =	shalt  }
.Lfunc_end0:
.L_simem_size_0:
called_computation_lowered:
.L_overlay_start_0:
0x88: {  	s0 =	sld [smem:$0x3FD9]  }
0x89: {  	s1 =	sld [smem:$0x3FFE];
	_ =	sdelay $0x3  }
0x8a: {  	s0 =	sadd.s32 s1, s0  }
0x8b: {  	[smem:$0x3FC6] =	sst s0  }
0x8c: {  	_ = 	snop  }
0x8d: {  	s0 =	sld [smem:$0x3FC9]  }
0x8e: {  	s17 =	sld [smem:$0x3FC8]  }
0x8f: {  	s2 =	sld [smem:$0x3FD0];
	(tm) =	ssettm $0x1  }
0x90: {  	s3 =	sld [smem:$0x3FFB];
	_ =	sdelay $0x3  }
0x91: {  	_ =	strace s3  }
0x92: {  	s3 =	sld [smem:$0x3FFC];
	_ =	sdelay $0x3  }
0x93: {  	_ =	strace s3  }
0x94: {  	s3 =	sld [smem:$0x3FFD];
	_ =	sdelay $0x3  }
0x95: {  	_ =	strace s3  }
0x96: {  	_ =	strace $0x8FFFFFFF  }
0x97: {  	s18 =	sld [smem:$0x3FDB];
	_ =	sdelay $0x1  }
0x98: {  	s4 =	simm.s32 $_scs_section_size  }
0x99: {  	s5 =	simm.s32 $_size__tile_overlayer_lowered;
	s6 =	simm.s32 $_tile_overlayer_lowered  }
0x9a: {  	s21 =	simm.s32 $0x1BFF;
	s20 =	sshll.u32 s6, $0x1;
	s3 =	sadd.s32 s4, s18  }
0x9b: {  	s7 =	simm.s32 $0x0;
	s19 =	sshll.u32 s5, $0x1;
	s5 =	sadd.s32 s20, s3  }
0x9c: {  	[timem:s7], [sflag:s21] =	dma.local [hbm:s5], s19  }
0x9d: {  	_ =	swait.ge [sflag:s21], s19  }
0x9e: {  	s4 =	ssub.s32 $0x0, s19;
	[sflag:s21] =	ssyncset.done $0x0  }
0x9f: {  	[sflag:s21] =	ssyncadd.s32 s4;
	_ =	sdelay $0x1  }
0xa0: {  	s22 =	simm.s32 $0x1B8B  }
0xa1: {  	_ =	swait.ge [sflag:s22], $0x1  }
0xa2: {  	[sflag:s22] =	ssyncset.done $0x0  }
0xa3: {  	s23 =	simm.s32 $0x1B8E;
	[sflag:s22] =	ssyncadd.s32 $0xFFFFFFFF  }
0xa4: {  	s24 =	simm.s32 $execute0_lowered;
	[smem:$0x3FD2] =	sst s23  }
0xa5: {  	s4 =	sshll.u32 s24, $0x1;
	_ =	strace $0x80000046;
	[dreg:$0x1] =	wrdreg $0xFFFFFFFF  }
0xa6: {  	s25 =	simm.s32 $_size_execute0_lowered;
	s3 =	sadd.s32 s3, s4;
	[dreg:$0x0] =	wrdreg $0x0  }
0xa7: {  	s4 =	sshll.u32 s25, $0x1;
	[dreg:$0x2] =	wrdreg s3  }
0xa8: {  	[dreg:$0x3] =	wrdreg s4  }
0xa9: {  	[dreg:$0x4] =	wrdreg $0xC0  }
0xaa: {  	_ =	task [dreg:s7], $0x5FFFF  }
0xab: {  	[dreg:$0x1] =	wrdreg $0xFFFFFFFF  }
0xac: {  	[dreg:$0x0] =	wrdreg $0x60  }
0xad: {  	[dreg:$0x2] =	wrdreg s0  }
0xae: {  	[dreg:$0x3] =	wrdreg s17  }
0xaf: {  	[dreg:$0x4] =	wrdreg s2  }
0xb0: {  	[dreg:$0x5] =	wrdreg $0x9  }
0xb1: {  	_ =	task.clear_ibuf [dreg:s7], $0x6FFFF;
	_ =	strace $0x90000046  }
0xb2: {  	s26 =	simm.s32 $0x9;
	_ =	strace $0x80000048  }
0xb3: {  	_ =	swait.ge [sflag:s26], $0x1  }
0xb4: {  	[sflag:s26] =	ssyncadd.s32 $0xFFFFFFFF  }
0xb5: {  	_ =	strace $0x90000048  }
0xb6: {  	_ =	sfence  }
0xb7: {  	s28 =	sld [smem:$0x0];
	_ =	sdelay $0x1  }
0xb8: {  	s29 =	srdreg.scid  }
0xb9: {  	s30 =	sshll.u32 s29, $0xD;
	s31 =	sshrl.u32 s29, $0x2  }
0xba: {  	s1 =	sand.u32 $0x1, s29;
	s2 =	sand.u32 $0x4000, s30;
	s0 =	sadd.s32 s31, s28  }
0xbb: {  	s1 =	sor.u32 s2, s1;
	s0 =	sshll.u32 s0, $0x11  }
0xbc: {  	s0 =	sor.u32 s0, s1  }
0xbd: {  	s0 =	sadd.s32 $0x8F2B, s0  }
0xbe: {  	[sflag:s0] =	ssyncadd.remote.s32 $0x1  }
0xbf: {  	_ =	sfence.sel $0xFFFF  }
0xc0: {  	[dreg:$0x0] =	wrdreg $0xFFFFFFFF;
	(pc) =	sbr.abs _section_cstart, $3  }
0xc1: {  	[dreg:$0x1] =	wrdreg $0xFFFFFFFF  }
0xc2: {  	_ =	task.clear_ibuf [dreg:s7], $0x2FFFF;
	_ =	strace $0x9FFFFFFF  }
0xc3: {  	(tm) =	ssettm $0x7FFFFFFF  }
tec
execute0_lowered:
.L_overlay_start_1:
0x0: {  	(tag) =	ssettag $0x1  }
0x1: {  	s5 =	rddreg [dreg:$0x0]  }
0x2: {  	s6 =	rddreg [dreg:$0x1]  }
0x3: {  	s2 =	rddreg [dreg:$0x2];
	s7 =	simm.s32 $0x0;
	s1 =	stileid.u32  }
0x4: {  	[smem:$0x7FF] =	sst s7;
	s4 =	sshll.u32 s1, $0x9  }
0x5: {  	s0 =	rddreg [dreg:$0x3];
	_ =	strace $0x80000047;
	s3 =	sadd.s32 s5, s4  }
0x6: {  	[tilespmem:s7], [sflag:$0x1] =	stream.linear.gather [hbm4b:s3+s7], $0x800, $0x38;
	[tilespmem:$0x3000] =	vst v63  }
0x7: {  	s9 =	simm.s32 $0x1000;
	s8 =	sadd.s32 s6, s4;
	s3 =	sor.u32 $0x100, s4  }
0x8: {  	[tilespmem:s9], [sflag:$0x1] =	stream.linear.gather [hbm4b:s8+s7], $0x800, $0x38;
	[tilespmem:$0x3000] =	vst v63  }
0x9: {  	s24 =	simm.s32 $0x800;
	s5 =	sadd.s32 s5, s3  }
0xa: {  	[tilespmem:s24], [sflag:$0x2] =	stream.linear.gather [hbm4b:s5+s7], $0x800, $0x38;
	[tilespmem:$0x3000] =	vst v63  }
0xb: {  	s26 =	simm.s32 $0x1800;
	s28 =	simm.s32 $0x1;
	s25 =	sadd.s32 s6, s3  }
0xc: {  	[tilespmem:s26], [sflag:$0x2] =	stream.linear.gather [hbm4b:s25+s7], $0x800, $0x38;
	[tilespmem:$0x3000] =	vst v63  }
0xd: {  	_ =	swait.ge [sflag:s28], $0x800  }
0xe: {  	[sflag:s28] =	ssyncset.done $0x0  }
0xf: {  	[sflag:s28] =	ssyncadd.s32 $0xFFFFF800  }
0x10: {  	_ =	swait.ge [sflag:s28], $0x800  }
0x11: {  	[sflag:s28] =	ssyncset.done $0x0  }
0x12: {  	s29 =	simm.s32 $0x20;
	[sflag:s28] =	ssyncadd.s32 $0xFFFFF800  }
0x13: {  	s30 =	simm.s32 $0x1020;
	v0 =	vld [tilespmem:s29+$0x10]  }
0x14: {  	v1 =	vld [tilespmem:s30+$0x10]  }
0x15: {  	v2 =	vld [tilespmem:s30+$0xFFFFFFE0]  }
0x16: {  	v3 =	vld [tilespmem:s29+$0xFFFFFFF0]  }
0x17: {  	v4 =	vld [tilespmem:s30+$0xFFFFFFF0]  }
0x18: {  	v5 =	vld [tilespmem:s29+$0x0]  }
0x19: {  	v6 =	vld [tilespmem:s30+$0x0]  }
0x1a: {  	v7 =	vld [tilespmem:s29+$0xFFFFFFE0];
	v0 =	vand.u32 $0x7FFFFFFF, v0;
	v1 =	vand.u32 $0x7FFFFFFF, v1  }
0x1b: {  	v0 =	vmin.f32 v0, v1  }
0x1c: {  	v1 =	vand.u32 $0x7FFFFFFF, v3;
	v3 =	vadd.f32 $-6.400000000e+01, v0;
	v0 =	vand.u32 $0x7FFFFFFF, v4  }
0x1d: {  	v2 =	vand.u32 $0x7FFFFFFF, v2;
	v0 =	vmin.f32 v1, v0;
	v1 =	vand.u32 $0x7FFFFFFF, v5  }
0x1e: {  	v4 =	vtrunc.f32 v3;
	v5 =	vadd.f32 $-6.400000000e+01, v0;
	v0 =	vand.u32 $0x7FFFFFFF, v6  }
0x1f: {  	v6 =	vand.u32 $0x7FFFFFFF, v7;
	v4 =	vcvt.f32.s32 v4;
	v0 =	vmin.f32 v1, v0  }
0x20: {  	v1 =	vmin.f32 v6, v2;
	v2 =	vadd.f32 $-6.400000000e+01, v0  }
0x21: {  	s31 =	simm.s32 $0x60;
	v1 =	vadd.f32 $-6.400000000e+01, v1;
	v6 =	vtrunc.f32 v5;
	v4 =	vcvt.s32.f32 v4  }
0x22: {  	s5 =	simm.s32 $0x1060;
	v7 =	vld [tilespmem:s31+$0x10];
	v0 =	vimm.f32 $0.0e+00;
	v6 =	vcvt.f32.s32 v6;
	v8 =	vtrunc.f32 v2  }
0x23: {  	v9 =	vtrunc.f32 v1;
	vm0 =	vlt.f32 v3, v4;
	v3 =	vld [tilespmem:s5+$0x10];
	v8 =	vcvt.f32.s32 v8  }
0x24: {  	v11 =	vld [tilespmem:s5+$0xFFFFFFE0];
	v9 =	vcvt.f32.s32 v9;
	v12 =	vcvt.s32.f32 v6;
	v10 =	vsel vm0, $0x3F800000, v0  }
0x25: {  	v6 =	vld [tilespmem:s31+$0xFFFFFFF0];
	v4 =	vsub.f32 v4, v10;
	v8 =	vcvt.s32.f32 v8  }
0x26: {  	v10 =	vld [tilespmem:s5+$0xFFFFFFF0];
	v9 =	vcvt.s32.f32 v9;
	vm14 =	vlt.f32 v5, v12  }
0x27: {  	v14 =	vld [tilespmem:s5+$0x0];
	v13 =	vsel vm14, $0x3F800000, v0;
	v5 =	vmin.f32 v4, $1.270000000e+02;
	vm15 =	vlt.f32 v2, v8  }
0x28: {  	v4 =	vld [tilespmem:s31+$0x0];
	v2 =	vand.u32 $0x7FFFFFFF, v7;
	vm1 =	vlt.f32 v1, v9;
	v3 =	vand.u32 $0x7FFFFFFF, v3  }
0x29: {  	v7 =	vand.u32 $0x7FFFFFFF, v11;
	v1 =	vmin.f32 v2, v3;
	v3 =	vld [tilespmem:s31+$0xFFFFFFE0];
	v2 =	vsel vm1, $0x3F800000, v0  }
0x2a: {  	v11 =	vand.u32 $0x7FFFFFFF, v6;
	v6 =	vadd.f32 $-6.400000000e+01, v1;
	v15 =	vsub.f32 v9, v2  }
0x2b: {  	v9 =	vsel vm15, $0x3F800000, v0;
	v2 =	vand.u32 $0x7FFFFFFF, v10;
	v1 =	vsub.f32 v12, v13  }
0x2c: {  	v2 =	vmin.f32 v11, v2;
	v11 =	vand.u32 $0x7FFFFFFF, v14;
	v10 =	vtrunc.f32 v6  }
0x2d: {  	v4 =	vand.u32 $0x7FFFFFFF, v4;
	v2 =	vadd.f32 $-6.400000000e+01, v2;
	v10 =	vcvt.f32.s32 v10  }
0x2e: {  	v11 =	vmin.f32 v4, v11;
	v4 =	vsub.f32 v8, v9;
	v3 =	vand.u32 $0x7FFFFFFF, v3  }
0x2f: {  	s6 =	simm.s32 $0x2020;
	v8 =	vmin.f32 v3, v7;
	v3 =	vadd.f32 $-6.400000000e+01, v11;
	v7 =	vcvt.s32.f32 v10  }
0x30: {  	s8 =	simm.s32 $0x4;
	s9 =	simm.s32 $0xA0;
	s7 =	simm.s32 $0x2020;
	[tilespmem:s6+$0x10] =	vst v5;
	v9 =	vtrunc.f32 v2;
	v5 =	vadd.f32 $-6.400000000e+01, v8;
	v8 =	vmin.f32 v15, $1.270000000e+02  }
.LBB2_1:
0x31: {  	v10 =	vld [tilespmem:s9+$0x10];
	v9 =	vcvt.f32.s32 v9;
	v11 =	vtrunc.f32 v3;
	vm0 =	vlt.f32 v6, v7;
	s5 =	sadd.s32 $0x40, s5;
	[tilespmem:s6+$0xFFFFFFE0] =	vst v8  }
0x32: {  	s8 =	sadd.s32 $0x4, s8;
	v6 =	vld [tilespmem:s5+$0x10];
	v8 =	vtrunc.f32 v5;
	v11 =	vcvt.f32.s32 v11;
	v12 =	vsel vm0, $0x3F800000, v0  }
0x33: {  	p0 =	slt.u32 s8, $0x7C;
	v13 =	vld [tilespmem:s5+$0xFFFFFFE0];
	v8 =	vcvt.f32.s32 v8;
	v9 =	vcvt.s32.f32 v9;
	v7 =	vsub.f32 v7, v12  }
0x34: {  	v1 =	vmin.f32 v1, $1.270000000e+02;
	v4 =	vmin.f32 v4, $1.270000000e+02;
	v12 =	vld [tilespmem:s9+$0xFFFFFFF0];
	v11 =	vcvt.s32.f32 v11  }
0x35: {  	s6 =	sadd.s32 $0x40, s6;
	v14 =	vld [tilespmem:s5+$0xFFFFFFF0];
	v8 =	vcvt.s32.f32 v8;
	vm0 =	vlt.f32 v2, v9;
	v2 =	vmin.f32 v7, $1.270000000e+02;
	[tilespmem:s7+$0xFFFFFFF0] =	vst v1  }
0x36: {  	v7 =	vld [tilespmem:s9+$0x0];
	v1 =	vsel vm0, $0x3F800000, v0;
	vm0 =	vlt.f32 v3, v11;
	[tilespmem:s6+$0x10] =	vst v2  }
0x37: {  	v2 =	vand.u32 $0x7FFFFFFF, v10;
	v3 =	vld [tilespmem:s5+$0x0];
	v6 =	vand.u32 $0x7FFFFFFF, v6;
	vm1 =	vlt.f32 v5, v8;
	[tilespmem:s7+$0x0] =	vst v4;
	s7 =	smov.u32 s6  }
0x38: {  	v4 =	vld [tilespmem:s9+$0xFFFFFFE0];
	v5 =	vand.u32 $0x7FFFFFFF, v13;
	v2 =	vmin.f32 v2, v6;
	v10 =	vsel vm1, $0x3F800000, v0  }
0x39: {  	v13 =	vsel vm0, $0x3F800000, v0;
	v12 =	vand.u32 $0x7FFFFFFF, v12;
	v6 =	vadd.f32 $-6.400000000e+01, v2  }
0x3a: {  	v1 =	vsub.f32 v9, v1;
	v8 =	vsub.f32 v8, v10;
	v2 =	vand.u32 $0x7FFFFFFF, v14  }
.Ltmp0:
0x3b: {  	v2 =	vmin.f32 v12, v2;
	v7 =	vand.u32 $0x7FFFFFFF, v7;
	v9 =	vtrunc.f32 v6;
	(pc) =	sbr.rel @p0 .LBB2_1-.Ltmp0, $4  }
0x3c: {  	v2 =	vadd.f32 $-6.400000000e+01, v2;
	v3 =	vand.u32 $0x7FFFFFFF, v3;
	v9 =	vcvt.f32.s32 v9  }
0x3d: {  	v10 =	vand.u32 $0x7FFFFFFF, v4;
	v3 =	vmin.f32 v7, v3;
	v4 =	vsub.f32 v11, v13  }
0x3e: {  	v5 =	vmin.f32 v10, v5;
	v3 =	vadd.f32 $-6.400000000e+01, v3;
	v7 =	vcvt.s32.f32 v9  }
0x3f: {  	s9 =	sadd.s32 $0x40, s9;
	v8 =	vmin.f32 v8, $1.270000000e+02;
	v9 =	vtrunc.f32 v2;
	v5 =	vadd.f32 $-6.400000000e+01, v5  }
0x40: {  	_ = 	snop  }
0x41: {  	v9 =	vcvt.f32.s32 v9;
	v10 =	vtrunc.f32 v5  }
0x42: {  	v11 =	vtrunc.f32 v3;
	v10 =	vcvt.f32.s32 v10  }
0x43: {  	vm0 =	vlt.f32 v6, v7;
	v6 =	vcvt.f32.s32 v11;
	v9 =	vcvt.s32.f32 v9  }
0x44: {  	v1 =	vmin.f32 v1, $1.270000000e+02;
	v4 =	vmin.f32 v4, $1.270000000e+02;
	v10 =	vcvt.s32.f32 v10  }
0x45: {  	v11 =	vsel vm0, $0x3F800000, v0;
	v6 =	vcvt.s32.f32 v6;
	vm1 =	vlt.f32 v2, v9  }
0x46: {  	[tilespmem:s7+$0xFFFFFFF0] =	vst v1;
	v7 =	vsub.f32 v7, v11;
	v1 =	vsel vm1, $0x3F800000, v0;
	vm10 =	vlt.f32 v5, v10  }
0x47: {  	[tilespmem:s6+$0xFFFFFFE0] =	vst v8;
	vm11 =	vlt.f32 v3, v6;
	v1 =	vsub.f32 v9, v1;
	v5 =	vsel vm10, $0x3F800000, v0  }
0x48: {  	s5 =	sadd.s32 $0x40, s6;
	[tilespmem:s7+$0x0] =	vst v4;
	v2 =	vmin.f32 v7, $1.270000000e+02;
	v0 =	vsel vm11, $0x3F800000, v0;
	v3 =	vsub.f32 v10, v5  }
0x49: {  	[tilespmem:s5+$0x10] =	vst v2;
	v0 =	vsub.f32 v6, v0;
	v1 =	vmin.f32 v1, $1.270000000e+02  }
0x4a: {  	[tilespmem:s5+$0xFFFFFFF0] =	vst v1;
	v2 =	vmin.f32 v3, $1.270000000e+02  }
0x4b: {  	s4 =	sadd.s32 s2, s4;
	v0 =	vmin.f32 v0, $1.270000000e+02;
	[tilespmem:s5+$0xFFFFFFE0] =	vst v2  }
0x4c: {  	s25 =	simm.s32 $0x0;
	s26 =	simm.s32 $0x2000;
	s28 =	simm.s32 $0x2;
	[tilespmem:s5+$0x0] =	vst v0  }
0x4d: {  	[hbm4b:s4+s25] =	stream.linear.scatter [tilespmem:s26], [sflag:$0x3], $0x800, $0x38;
	[tilespmem:$0x3000] =	vst v63  }
0x4e: {  	_ =	swait.ge [sflag:s28], $0x800  }
0x4f: {  	[sflag:s28] =	ssyncset.done $0x0  }
0x50: {  	[sflag:s28] =	ssyncadd.s32 $0xFFFFF800  }
0x51: {  	_ =	swait.ge [sflag:s28], $0x800  }
0x52: {  	[sflag:s28] =	ssyncset.done $0x0  }
0x53: {  	s29 =	simm.s32 $0x830;
	[sflag:s28] =	ssyncadd.s32 $0xFFFFF800  }
0x54: {  	s30 =	simm.s32 $0x1830;
	v0 =	vld [tilespmem:s29+$0x0]  }
0x55: {  	v1 =	vld [tilespmem:s30+$0x0]  }
0x56: {  	v2 =	vld [tilespmem:s30+$0xFFFFFFD0]  }
0x57: {  	v3 =	vld [tilespmem:s29+$0xFFFFFFE0]  }
0x58: {  	v4 =	vld [tilespmem:s30+$0xFFFFFFE0]  }
0x59: {  	v5 =	vld [tilespmem:s29+$0xFFFFFFF0]  }
0x5a: {  	v6 =	vld [tilespmem:s30+$0xFFFFFFF0]  }
0x5b: {  	v7 =	vld [tilespmem:s29+$0xFFFFFFD0];
	v0 =	vand.u32 $0x7FFFFFFF, v0;
	v1 =	vand.u32 $0x7FFFFFFF, v1  }
0x5c: {  	v0 =	vmin.f32 v0, v1  }
0x5d: {  	v1 =	vand.u32 $0x7FFFFFFF, v3;
	v3 =	vadd.f32 $-6.400000000e+01, v0;
	v0 =	vand.u32 $0x7FFFFFFF, v4  }
0x5e: {  	v2 =	vand.u32 $0x7FFFFFFF, v2;
	v0 =	vmin.f32 v1, v0;
	v1 =	vand.u32 $0x7FFFFFFF, v5  }
0x5f: {  	v4 =	vtrunc.f32 v3;
	v5 =	vadd.f32 $-6.400000000e+01, v0;
	v0 =	vand.u32 $0x7FFFFFFF, v6  }
0x60: {  	v6 =	vand.u32 $0x7FFFFFFF, v7;
	v4 =	vcvt.f32.s32 v4;
	v0 =	vmin.f32 v1, v0  }
0x61: {  	v1 =	vmin.f32 v6, v2;
	v2 =	vadd.f32 $-6.400000000e+01, v0  }
0x62: {  	s31 =	simm.s32 $0x870;
	v1 =	vadd.f32 $-6.400000000e+01, v1;
	v6 =	vtrunc.f32 v5;
	v4 =	vcvt.s32.f32 v4  }
0x63: {  	s4 =	simm.s32 $0x1870;
	v7 =	vld [tilespmem:s31+$0x0];
	v0 =	vimm.f32 $0.0e+00;
	v6 =	vcvt.f32.s32 v6;
	v8 =	vtrunc.f32 v2  }
0x64: {  	v9 =	vtrunc.f32 v1;
	vm12 =	vlt.f32 v3, v4;
	v3 =	vld [tilespmem:s4+$0x0];
	v8 =	vcvt.f32.s32 v8  }
0x65: {  	v11 =	vld [tilespmem:s4+$0xFFFFFFD0];
	v9 =	vcvt.f32.s32 v9;
	v12 =	vcvt.s32.f32 v6;
	v10 =	vsel vm12, $0x3F800000, v0  }
0x66: {  	v6 =	vld [tilespmem:s31+$0xFFFFFFE0];
	v4 =	vsub.f32 v4, v10;
	v8 =	vcvt.s32.f32 v8  }
0x67: {  	v10 =	vld [tilespmem:s4+$0xFFFFFFE0];
	v9 =	vcvt.s32.f32 v9;
	vm13 =	vlt.f32 v5, v12  }
0x68: {  	v14 =	vld [tilespmem:s4+$0xFFFFFFF0];
	v13 =	vsel vm13, $0x3F800000, v0;
	v5 =	vmin.f32 v4, $1.270000000e+02;
	vm14 =	vlt.f32 v2, v8  }
0x69: {  	v4 =	vld [tilespmem:s31+$0xFFFFFFF0];
	v2 =	vand.u32 $0x7FFFFFFF, v7;
	vm15 =	vlt.f32 v1, v9;
	v3 =	vand.u32 $0x7FFFFFFF, v3  }
0x6a: {  	v7 =	vand.u32 $0x7FFFFFFF, v11;
	v1 =	vmin.f32 v2, v3;
	v3 =	vld [tilespmem:s31+$0xFFFFFFD0];
	v2 =	vsel vm15, $0x3F800000, v0  }
0x6b: {  	v11 =	vand.u32 $0x7FFFFFFF, v6;
	v6 =	vadd.f32 $-6.400000000e+01, v1;
	v15 =	vsub.f32 v9, v2  }
0x6c: {  	v9 =	vsel vm14, $0x3F800000, v0;
	v2 =	vand.u32 $0x7FFFFFFF, v10;
	v1 =	vsub.f32 v12, v13  }
0x6d: {  	v2 =	vmin.f32 v11, v2;
	v11 =	vand.u32 $0x7FFFFFFF, v14;
	v10 =	vtrunc.f32 v6  }
0x6e: {  	v4 =	vand.u32 $0x7FFFFFFF, v4;
	v2 =	vadd.f32 $-6.400000000e+01, v2;
	v10 =	vcvt.f32.s32 v10  }
0x6f: {  	v11 =	vmin.f32 v4, v11;
	v4 =	vsub.f32 v8, v9;
	v3 =	vand.u32 $0x7FFFFFFF, v3  }
0x70: {  	s5 =	simm.s32 $0x2830;
	v8 =	vmin.f32 v3, v7;
	v3 =	vadd.f32 $-6.400000000e+01, v11;
	v7 =	vcvt.s32.f32 v10  }
0x71: {  	s8 =	simm.s32 $0x8B0;
	s6 =	simm.s32 $0x2830;
	s7 =	simm.s32 $0x84;
	[tilespmem:s5+$0x0] =	vst v5;
	v9 =	vtrunc.f32 v2;
	v5 =	vadd.f32 $-6.400000000e+01, v8;
	v8 =	vmin.f32 v15, $1.270000000e+02  }
.LBB2_3:
0x72: {  	v10 =	vld [tilespmem:s8+$0x0];
	v9 =	vcvt.f32.s32 v9;
	v11 =	vtrunc.f32 v3;
	vm0 =	vlt.f32 v6, v7;
	s4 =	sadd.s32 $0x40, s4;
	[tilespmem:s5+$0xFFFFFFD0] =	vst v8  }
0x73: {  	s7 =	sadd.s32 $0x4, s7;
	v6 =	vld [tilespmem:s4+$0x0];
	v8 =	vtrunc.f32 v5;
	v11 =	vcvt.f32.s32 v11;
	v12 =	vsel vm0, $0x3F800000, v0  }
0x74: {  	p0 =	slt.u32 s7, $0xFC;
	v13 =	vld [tilespmem:s4+$0xFFFFFFD0];
	v8 =	vcvt.f32.s32 v8;
	v9 =	vcvt.s32.f32 v9;
	v7 =	vsub.f32 v7, v12  }
0x75: {  	v1 =	vmin.f32 v1, $1.270000000e+02;
	v4 =	vmin.f32 v4, $1.270000000e+02;
	v12 =	vld [tilespmem:s8+$0xFFFFFFE0];
	v11 =	vcvt.s32.f32 v11  }
0x76: {  	s5 =	sadd.s32 $0x40, s5;
	v14 =	vld [tilespmem:s4+$0xFFFFFFE0];
	v8 =	vcvt.s32.f32 v8;
	vm0 =	vlt.f32 v2, v9;
	v2 =	vmin.f32 v7, $1.270000000e+02;
	[tilespmem:s6+$0xFFFFFFE0] =	vst v1  }
0x77: {  	v7 =	vld [tilespmem:s8+$0xFFFFFFF0];
	v1 =	vsel vm0, $0x3F800000, v0;
	vm0 =	vlt.f32 v3, v11;
	[tilespmem:s5+$0x0] =	vst v2  }
0x78: {  	v2 =	vand.u32 $0x7FFFFFFF, v10;
	v3 =	vld [tilespmem:s4+$0xFFFFFFF0];
	v6 =	vand.u32 $0x7FFFFFFF, v6;
	vm1 =	vlt.f32 v5, v8;
	[tilespmem:s6+$0xFFFFFFF0] =	vst v4;
	s6 =	smov.u32 s5  }
0x79: {  	v4 =	vld [tilespmem:s8+$0xFFFFFFD0];
	v5 =	vand.u32 $0x7FFFFFFF, v13;
	v2 =	vmin.f32 v2, v6;
	v10 =	vsel vm1, $0x3F800000, v0  }
0x7a: {  	v13 =	vsel vm0, $0x3F800000, v0;
	v12 =	vand.u32 $0x7FFFFFFF, v12;
	v6 =	vadd.f32 $-6.400000000e+01, v2  }
0x7b: {  	v1 =	vsub.f32 v9, v1;
	v8 =	vsub.f32 v8, v10;
	v2 =	vand.u32 $0x7FFFFFFF, v14  }
.Ltmp1:
0x7c: {  	v2 =	vmin.f32 v12, v2;
	v7 =	vand.u32 $0x7FFFFFFF, v7;
	v9 =	vtrunc.f32 v6;
	(pc) =	sbr.rel @p0 .LBB2_3-.Ltmp1, $4  }
0x7d: {  	v2 =	vadd.f32 $-6.400000000e+01, v2;
	v3 =	vand.u32 $0x7FFFFFFF, v3;
	v9 =	vcvt.f32.s32 v9  }
0x7e: {  	v10 =	vand.u32 $0x7FFFFFFF, v4;
	v3 =	vmin.f32 v7, v3;
	v4 =	vsub.f32 v11, v13  }
0x7f: {  	v5 =	vmin.f32 v10, v5;
	v3 =	vadd.f32 $-6.400000000e+01, v3;
	v7 =	vcvt.s32.f32 v9  }
0x80: {  	s8 =	sadd.s32 $0x40, s8;
	v8 =	vmin.f32 v8, $1.270000000e+02;
	v9 =	vtrunc.f32 v2;
	v5 =	vadd.f32 $-6.400000000e+01, v5  }
0x81: {  	v9 =	vcvt.f32.s32 v9;
	v11 =	vtrunc.f32 v3  }
0x82: {  	v10 =	vtrunc.f32 v5;
	v56 =	vcvt.f32.s32 v11  }
0x83: {  	vm0 =	vlt.f32 v6, v7;
	v10 =	vcvt.f32.s32 v10;
	v9 =	vcvt.s32.f32 v9  }
0x84: {  	v1 =	vmin.f32 v1, $1.270000000e+02;
	v4 =	vmin.f32 v4, $1.270000000e+02;
	v6 =	vcvt.s32.f32 v56  }
0x85: {  	v57 =	vsel vm0, $0x3F800000, v0;
	v10 =	vcvt.s32.f32 v10;
	vm1 =	vlt.f32 v2, v9  }
0x86: {  	[tilespmem:s5+$0xFFFFFFD0] =	vst v8;
	v58 =	vsub.f32 v7, v57;
	v60 =	vsel vm1, $0x3F800000, v0;
	vm15 =	vlt.f32 v3, v6  }
0x87: {  	[tilespmem:s6+$0xFFFFFFE0] =	vst v1;
	vm14 =	vlt.f32 v5, v10;
	v62 =	vsel vm15, $0x3F800000, v0;
	v1 =	vsub.f32 v9, v60  }
0x88: {  	s4 =	sadd.s32 $0x40, s5;
	[tilespmem:s6+$0xFFFFFFF0] =	vst v4;
	v59 =	vmin.f32 v58, $1.270000000e+02;
	v5 =	vsel vm14, $0x3F800000, v0;
	v0 =	vsub.f32 v6, v62  }
0x89: {  	[tilespmem:s4+$0x0] =	vst v59;
	v61 =	vsub.f32 v10, v5;
	v1 =	vmin.f32 v1, $1.270000000e+02  }
0x8a: {  	v0 =	vmin.f32 v0, $1.270000000e+02;
	[tilespmem:s4+$0xFFFFFFE0] =	vst v1  }
0x8b: {  	s2 =	sadd.s32 s2, s3;
	v63 =	vmin.f32 v61, $1.270000000e+02;
	[tilespmem:s4+$0xFFFFFFF0] =	vst v0  }
0x8c: {  	s28 =	simm.s32 $0x0;
	s29 =	simm.s32 $0x2800;
	s30 =	simm.s32 $0x4;
	[tilespmem:s4+$0xFFFFFFD0] =	vst v63  }
0x8d: {  	[hbm4b:s2+s28] =	stream.linear.scatter [tilespmem:s29], [sflag:$0x4], $0x800, $0x38;
	[tilespmem:$0x3000] =	vst v63  }
0x8e: {  	_ =	swait.ge [sflag:s30], $0x800  }
0x8f: {  	[sflag:s30] =	ssyncset.done $0x0  }
0x90: {  	s31 =	simm.s32 $0x3;
	[sflag:s30] =	ssyncadd.s32 $0xFFFFF800  }
0x91: {  	_ =	swait.ge [sflag:s31], $0x800  }
0x92: {  	[sflag:s31] =	ssyncset.done $0x0  }
0x93: {  	[sflag:s31] =	ssyncadd.s32 $0xFFFFF800  }
0x94: {  	_ =	sfence.sel $0x180000  }
0x95: {  	[bflag:$0x0] =	sbarrier.arrive $0xFFFF  }
0x96: {  	p0 =	sne.s32 s1, $0x0;
	_ =	strace $0x90000047  }
0x97: {  	s0 =	sadd.s32 @!p0 $0x100000, s0;
	[bflag:$0x2] =	sbarrier.arrive $0xFFFF  }
0x98: {  	[sflag:s0] =	ssyncadd.tile.s32 @!p0 $0x1;
	_ =	shalt  }
.Lfunc_end2:
_tile_overlayer_lowered:
.L_overlay_start_2:
0x99: {  	(tag) =	ssettag $0x2  }
0x9a: {  	s0 =	rddreg [dreg:$0x0];
	s2 =	stileid.u32  }
0x9b: {  	s1 =	rddreg [dreg:$0x1];
	p0 =	sne.s32 s2, $0x0  }
0x9c: {  	s3 =	rddreg [dreg:$0x2];
	[bflag:$0x3] =	sbarrier.arrive $0xFFFF;
	s2 =	simm.s32 @!p0 $0x1C04  }
0x9d: {  	[timem:s3], [sflag:s2] =	dma.local @!p0 [hbm:s0], s1  }
0x9e: {  	s0 =	simm.s32 @!p0 $0x4  }
0x9f: {  	_ =	swait.ge @!p0 [sflag:s0], s1  }
0xa0: {  	s1 =	ssub.s32 @!p0 $0x0, s1;
	[sflag:s0] =	ssyncset.done @!p0 $0x0  }
0xa1: {  	[sflag:s0] =	ssyncadd.s32 @!p0 s1  }
0xa2: {  	[bflag:$0x3] =	sbarrier.arrive $0xFFFF  }
0xa3: {  	_ =	shalt  }

</sc_bundles>
